<compile_context>
chip_gen: v7x
topology: tpu7x:2x2x1
jax: 0.10.2.dev20260603
libtpu: 0.0.44.dev20260713+nightly
codegen_flags: <defaults>
</compile_context>

<pallas_src>
import functools

import jax
import jax.numpy as jnp
from jax.experimental import pallas as pl
from jax.experimental.pallas import tpu as pltpu

BS = 128
D1, D2, D3 = 256, 512, 100000
BLK = 2048
NBLK = (D3 + BLK - 1) // BLK
OH_BLK = 4096
NEG = -1e30
K = 5
CARRY = 128


def _leaky(x):
    return jnp.where(x >= 0, x, 0.2 * x)


def _topk_body(z_ref, w1_ref, b1_ref, w2_ref, b2_ref, g2_ref, be2_ref,
               w3_ref, b3_ref, g3_ref, be3_ref,
               idx_out_ref, h2_ref, cv_ref, ci_ref):
    j = pl.program_id(0)

    @pl.when(j == 0)
    def _prologue():
        h1 = _leaky(jnp.dot(z_ref[...], w1_ref[...],
                            preferred_element_type=jnp.float32) + b1_ref[...])
        t = jnp.dot(h1, w2_ref[...],
                    preferred_element_type=jnp.float32) + b2_ref[...]
        mean = jnp.mean(t, axis=0, keepdims=True)
        var = jnp.mean((t - mean) ** 2, axis=0, keepdims=True)
        h2 = (t - mean) * jax.lax.rsqrt(var + 0.8) * g2_ref[...] + be2_ref[...]
        h2_ref[...] = _leaky(h2)
        cv_ref[...] = jnp.full((BS, CARRY), NEG, dtype=jnp.float32)
        ci_ref[...] = jnp.zeros((BS, CARRY), dtype=jnp.int32)

    x = jnp.dot(h2_ref[...], w3_ref[...],
                preferred_element_type=jnp.float32) + b3_ref[...]
    mean3 = jnp.mean(x, axis=0, keepdims=True)
    var3 = jnp.mean((x - mean3) ** 2, axis=0, keepdims=True)
    xn = (x - mean3) * jax.lax.rsqrt(var3 + 0.8) * g3_ref[...] + be3_ref[...]

    base = j * BLK
    cols = base + jax.lax.broadcasted_iota(jnp.int32, (BS, BLK), 1)
    xn = jnp.where(cols < D3, xn, NEG)

    cv = cv_ref[...]
    ci = ci_ref[...]
    x_ext = jnp.concatenate([cv, xn], axis=1)
    lane_ext = jax.lax.broadcasted_iota(jnp.int32, (BS, CARRY + BLK), 1)
    lane_c = jax.lax.broadcasted_iota(jnp.int32, (BS, CARRY), 1)

    newv = jnp.full((BS, CARRY), NEG, dtype=jnp.float32)
    newi = jnp.zeros((BS, CARRY), dtype=jnp.int32)
    for t in range(K):
        m = jnp.max(x_ext, axis=1)
        am = jnp.min(jnp.where(x_ext == m[:, None], lane_ext, CARRY + BLK),
                     axis=1)
        carry_g = jnp.sum(jnp.where(lane_c == am[:, None], ci, 0), axis=1)
        gidx = jnp.where(am < CARRY, carry_g, base + am - CARRY)
        newv = jnp.where(lane_c == t, m[:, None], newv)
        newi = jnp.where(lane_c == t, gidx[:, None], newi)
        x_ext = jnp.where(lane_ext == am[:, None], NEG, x_ext)

    cv_ref[...] = newv
    ci_ref[...] = newi
    idx_out_ref[...] = newi


def _onehot_body(idx_ref, out_ref):
    j = pl.program_id(0)
    cols = j * OH_BLK + jax.lax.broadcasted_iota(jnp.int32, (BS * K, OH_BLK), 1)
    out_ref[...] = jnp.where(cols == idx_ref[...], 1.0, 0.0).astype(jnp.float32)


@functools.partial(jax.jit, static_argnums=(0,))
def _run(bs_static, z, W1, b1, W2, b2, gamma2, beta2, W3, b3, gamma3, beta3):
    full = lambda shape: pl.BlockSpec(shape, lambda j: (0, 0))
    colblk = lambda r: pl.BlockSpec((r, BLK), lambda j: (0, j))

    idx_pad = pl.pallas_call(
        _topk_body,
        grid=(NBLK,),
        in_specs=[
            full((BS, BS)),
            full((BS, D1)),
            full((1, D1)),
            full((D1, D2)),
            full((1, D2)),
            full((1, D2)),
            full((1, D2)),
            colblk(D2),
            colblk(1),
            colblk(1),
            colblk(1),
        ],
        out_specs=pl.BlockSpec((BS, CARRY), lambda j: (0, 0)),
        out_shape=jax.ShapeDtypeStruct((BS, CARRY), jnp.int32),
        scratch_shapes=[
            pltpu.VMEM((BS, D2), jnp.float32),
            pltpu.VMEM((BS, CARRY), jnp.float32),
            pltpu.VMEM((BS, CARRY), jnp.int32),
        ],
    )(z, W1, b1.reshape(1, D1), W2, b2.reshape(1, D2),
      gamma2.reshape(1, D2), beta2.reshape(1, D2),
      W3, b3.reshape(1, D3), gamma3.reshape(1, D3), beta3.reshape(1, D3))

    idx = idx_pad[:, :K]
    idx_flat = idx.reshape(BS * K, 1)

    oh2d = pl.pallas_call(
        _onehot_body,
        grid=((D3 + OH_BLK - 1) // OH_BLK,),
        in_specs=[pl.BlockSpec((BS * K, 1), lambda j: (0, 0))],
        out_specs=pl.BlockSpec((BS * K, OH_BLK), lambda j: (0, j)),
        out_shape=jax.ShapeDtypeStruct((BS * K, D3), jnp.float32),
    )(idx_flat)

    return oh2d.reshape(BS, K, D3), idx


def kernel(bs, z, W1, b1, W2, b2, gamma2, beta2, W3, b3, gamma3, beta3):
    return _run(z.shape[0], z, W1, b1, W2, b2, gamma2, beta2,
                W3, b3, gamma3, beta3)

# --- scband reference (transcript-rebuilt; emitter-appended) ---
"""Pipeline reference for scband-mlpgenerator-7670811591236 (READ-ONLY COPY).

The authoritative reference and input builder live on the scoring server;
editing this copy changes nothing except your own understanding.
"""

import jax, jax.numpy as jnp
import numpy as np


def _leaky(x):
    return jnp.where(x >= 0, x, 0.2 * x)


def _bn(h, gamma, beta, eps=0.8):
    # torch nn.BatchNorm1d(out_feat, 0.8) -> eps=0.8, training-mode batch stats (biased var)
    mean = jnp.mean(h, axis=0, keepdims=True)
    var = jnp.var(h, axis=0, keepdims=True)
    return (h - mean) / jnp.sqrt(var + eps) * gamma + beta


def setup_inputs(seed: int = 0) -> dict:
    key = jax.random.key(seed)
    ks = jax.random.split(key, 8)
    dim = [128, 256, 512, 100000]
    bs = 128

    # z = torch.randn(bs, dim[0]) generated inside forward; externalized for determinism
    z = jax.random.normal(ks[0], (bs, dim[0]), dtype=jnp.float32)

    def lin(k, fan_in, fan_out):
        bound = 1.0 / np.sqrt(fan_in)
        kw, kb = jax.random.split(k)
        W = jax.random.uniform(kw, (fan_in, fan_out), minval=-bound, maxval=bound, dtype=jnp.float32)
        b = jax.random.uniform(kb, (fan_out,), minval=-bound, maxval=bound, dtype=jnp.float32)
        return W, b

    W1, b1 = lin(ks[1], dim[0], dim[1])
    W2, b2 = lin(ks[2], dim[1], dim[2])
    W3, b3 = lin(ks[3], dim[2], dim[3])
    gamma2 = jnp.ones((dim[2],), dtype=jnp.float32)
    beta2 = jnp.zeros((dim[2],), dtype=jnp.float32)
    gamma3 = jnp.ones((dim[3],), dtype=jnp.float32)
    beta3 = jnp.zeros((dim[3],), dtype=jnp.float32)
    return {"bs": bs, "z": z, "W1": W1, "b1": b1, "W2": W2, "b2": b2,
            "gamma2": gamma2, "beta2": beta2, "W3": W3, "b3": b3,
            "gamma3": gamma3, "beta3": beta3}


def reference(bs, z, W1, b1, W2, b2, gamma2, beta2, W3, b3, gamma3, beta3):
    # size_dist=None -> sampled_size = [5]*bs
    k = 5
    bs_static = z.shape[0]
    # block 0: Linear + LeakyReLU(0.2), no norm
    h = _leaky(z @ W1 + b1)
    # block 1: Linear + BN(eps=0.8) + LeakyReLU(0.2)
    h = _leaky(_bn(h @ W2 + b2, gamma2, beta2))
    # last block: Linear + BN(eps=0.8), no activation
    gen_hedge = _bn(h @ W3 + b3, gamma3, beta3)

    values, idx = jax.lax.top_k(gen_hedge, k)  # [bs, k]
    num_nodes = gen_hedge.shape[1]
    # straight-through one-hot: onehots[i, idx[i]] = 1 + v - stop_grad(v)
    st = 1.0 + values - jax.lax.stop_gradient(values)
    onehots = jnp.zeros((bs_static, k, num_nodes), dtype=gen_hedge.dtype)
    onehots = onehots + (jnp.asarray(bs) - bs_static).astype(gen_hedge.dtype)
    bidx = jnp.arange(bs_static)[:, None]
    kidx = jnp.arange(k)[None, :]
    onehots = onehots.at[bidx, kidx, idx].set(st)
    # stacked equivalent of (list of [k, num_nodes] onehots, list of idx)
    return (onehots, idx)

if __name__ == "__main__":
    import jax
    _d = setup_inputs()
    print(jax.jit(kernel)(*tuple(_d.values())))

</pallas_src>

<mosaic_0001>
module attributes {stable_mosaic.version = 14 : i64} {
  func.func @_topk_body(%arg0: i32, %arg1: memref<128x128xf32, #tpu.memory_space<vmem>>, %arg2: memref<128x256xf32, #tpu.memory_space<vmem>>, %arg3: memref<1x256xf32, #tpu.memory_space<vmem>>, %arg4: memref<256x512xf32, #tpu.memory_space<vmem>>, %arg5: memref<1x512xf32, #tpu.memory_space<vmem>>, %arg6: memref<1x512xf32, #tpu.memory_space<vmem>>, %arg7: memref<1x512xf32, #tpu.memory_space<vmem>>, %arg8: memref<512x2048xf32, #tpu.memory_space<vmem>>, %arg9: memref<1x2048xf32, #tpu.memory_space<vmem>>, %arg10: memref<1x2048xf32, #tpu.memory_space<vmem>>, %arg11: memref<1x2048xf32, #tpu.memory_space<vmem>>, %arg12: memref<128x128xi32, #tpu.memory_space<vmem>>, %arg13: memref<128x512xf32, #tpu.memory_space<vmem>>, %arg14: memref<128x128xf32, #tpu.memory_space<vmem>>, %arg15: memref<128x128xi32, #tpu.memory_space<vmem>>) attributes {dimension_semantics = [#tpu.dimension_semantics<arbitrary>], iteration_bounds = array<i64: 49>, scalar_prefetch = 0 : i64, scratch_operands = 3 : i64, tpu.core_type = #tpu.core_type<tc>, window_params = [{pipeline_mode = #tpu.pipeline_mode<synchronous>, transform_indices = @transform_0, window_bounds = array<i64: 128, 128>}, {pipeline_mode = #tpu.pipeline_mode<synchronous>, transform_indices = @transform_1, window_bounds = array<i64: 128, 256>}, {pipeline_mode = #tpu.pipeline_mode<synchronous>, transform_indices = @transform_2, window_bounds = array<i64: 1, 256>}, {pipeline_mode = #tpu.pipeline_mode<synchronous>, transform_indices = @transform_3, window_bounds = array<i64: 256, 512>}, {pipeline_mode = #tpu.pipeline_mode<synchronous>, transform_indices = @transform_4, window_bounds = array<i64: 1, 512>}, {pipeline_mode = #tpu.pipeline_mode<synchronous>, transform_indices = @transform_5, window_bounds = array<i64: 1, 512>}, {pipeline_mode = #tpu.pipeline_mode<synchronous>, transform_indices = @transform_6, window_bounds = array<i64: 1, 512>}, {transform_indices = @transform_7, window_bounds = array<i64: 512, 2048>}, {transform_indices = @transform_8, window_bounds = array<i64: 1, 2048>}, {transform_indices = @transform_9, window_bounds = array<i64: 1, 2048>}, {transform_indices = @transform_10, window_bounds = array<i64: 1, 2048>}, {pipeline_mode = #tpu.pipeline_mode<synchronous>, transform_indices = @transform_11, window_bounds = array<i64: 128, 128>}]} {
    %eq3A = arith.constant 0 : i32
    %eq3A_0 = arith.cmpi eq, %arg0, %eq3A : i32
    %convert_element_type3A = arith.extui %eq3A_0 : i1 to i32
    %cond3A = arith.constant 0 : i32
    %cond3A_1 = arith.cmpi ne, %convert_element_type3A, %cond3A : i32
    scf.if %cond3A_1 {
      %get3A_292 = arith.constant 0 : index
      %get3A_293 = arith.constant 0 : index
      %get3A_294 = vector.load %arg1[%get3A_292, %get3A_293] : memref<128x128xf32, #tpu.memory_space<vmem>>, vector<128x128xf32>
      %get3A_295 = arith.constant 0 : index
      %get3A_296 = arith.constant 0 : index
      %get3A_297 = vector.load %arg2[%get3A_295, %get3A_296] : memref<128x256xf32, #tpu.memory_space<vmem>>, vector<128x256xf32>
      %dot_general3A_298 = arith.constant dense<0.000000e+00> : vector<128x256xf32>
      %dot_general3A_299 = tpu.matmul %get3A_294, %get3A_297, %dot_general3A_298 {dimension_numbers = #tpu.dot_dimension_numbers<[1], [0], [0], [1], [0, 0, 1, 1], [], []>, transpose_lhs_hint = false} : vector<128x128xf32>, vector<128x256xf32>, vector<128x256xf32> -> vector<128x256xf32>
      %get3A_300 = arith.constant 0 : index
      %get3A_301 = arith.constant 0 : index
      %get3A_302 = vector.load %arg3[%get3A_300, %get3A_301] : memref<1x256xf32, #tpu.memory_space<vmem>>, vector<1x256xf32>
      %add3A_303 = vector.broadcast %get3A_302 : vector<1x256xf32> to vector<128x256xf32>
      %add3A_304 = arith.addf %dot_general3A_299, %add3A_303 : vector<128x256xf32>
      %ge3A = arith.constant 0.000000e+00 : f32
      %ge3A_305 = vector.broadcast %ge3A : f32 to vector<128x256xf32>
      %ge3A_306 = arith.cmpf oge, %add3A_304, %ge3A_305 : vector<128x256xf32>
      %mul3A_307 = arith.constant 2.000000e-01 : f32
      %mul3A_308 = vector.broadcast %mul3A_307 : f32 to vector<128x256xf32>
      %mul3A_309 = arith.mulf %mul3A_308, %add3A_304 : vector<128x256xf32>
      %select_n3A_310 = arith.select %ge3A_306, %add3A_304, %mul3A_309 : vector<128x256xi1>, vector<128x256xf32>
      %get3A_311 = arith.constant 0 : index
      %get3A_312 = arith.constant 0 : index
      %get3A_313 = vector.load %arg4[%get3A_311, %get3A_312] : memref<256x512xf32, #tpu.memory_space<vmem>>, vector<256x512xf32>
      %dot_general3A_314 = arith.constant dense<0.000000e+00> : vector<128x512xf32>
      %dot_general3A_315 = tpu.matmul %select_n3A_310, %get3A_313, %dot_general3A_314 {dimension_numbers = #tpu.dot_dimension_numbers<[1], [0], [0], [1], [0, 0, 1, 1], [], []>, transpose_lhs_hint = false} : vector<128x256xf32>, vector<256x512xf32>, vector<128x512xf32> -> vector<128x512xf32>
      %get3A_316 = arith.constant 0 : index
      %get3A_317 = arith.constant 0 : index
      %get3A_318 = vector.load %arg5[%get3A_316, %get3A_317] : memref<1x512xf32, #tpu.memory_space<vmem>>, vector<1x512xf32>
      %add3A_319 = vector.broadcast %get3A_318 : vector<1x512xf32> to vector<128x512xf32>
      %add3A_320 = arith.addf %dot_general3A_315, %add3A_319 : vector<128x512xf32>
      %reduce_sum3A_321 = arith.constant dense<0.000000e+00> : vector<512xf32>
      %reduce_sum3A_322 = vector.multi_reduction <add>, %add3A_320, %reduce_sum3A_321 [0] : vector<128x512xf32> to vector<512xf32>
      %broadcast_in_dim3A_323 = vector.shape_cast %reduce_sum3A_322 : vector<512xf32> to vector<1x512xf32>
      %div3A_324 = arith.constant 1.280000e+02 : f32
      %div3A_325 = vector.broadcast %div3A_324 : f32 to vector<1x512xf32>
      %div3A_326 = arith.divf %broadcast_in_dim3A_323, %div3A_325 : vector<1x512xf32>
      %sub3A_327 = vector.broadcast %div3A_326 : vector<1x512xf32> to vector<128x512xf32>
      %sub3A_328 = arith.subf %add3A_320, %sub3A_327 : vector<128x512xf32>
      %integer_pow3A_329 = arith.mulf %sub3A_328, %sub3A_328 : vector<128x512xf32>
      %reduce_sum3A_330 = arith.constant dense<0.000000e+00> : vector<512xf32>
      %reduce_sum3A_331 = vector.multi_reduction <add>, %integer_pow3A_329, %reduce_sum3A_330 [0] : vector<128x512xf32> to vector<512xf32>
      %broadcast_in_dim3A_332 = vector.shape_cast %reduce_sum3A_331 : vector<512xf32> to vector<1x512xf32>
      %div3A_333 = arith.constant 1.280000e+02 : f32
      %div3A_334 = vector.broadcast %div3A_333 : f32 to vector<1x512xf32>
      %div3A_335 = arith.divf %broadcast_in_dim3A_332, %div3A_334 : vector<1x512xf32>
      %sub3A_336 = vector.broadcast %div3A_326 : vector<1x512xf32> to vector<128x512xf32>
      %sub3A_337 = arith.subf %add3A_320, %sub3A_336 : vector<128x512xf32>
      %add3A_338 = arith.constant 8.000000e-01 : f32
      %add3A_339 = vector.broadcast %add3A_338 : f32 to vector<1x512xf32>
      %add3A_340 = arith.addf %div3A_335, %add3A_339 : vector<1x512xf32>
      %rsqrt3A_341 = math.rsqrt %add3A_340 : vector<1x512xf32>
      %mul3A_342 = vector.broadcast %rsqrt3A_341 : vector<1x512xf32> to vector<128x512xf32>
      %mul3A_343 = arith.mulf %sub3A_337, %mul3A_342 : vector<128x512xf32>
      %get3A_344 = arith.constant 0 : index
      %get3A_345 = arith.constant 0 : index
      %get3A_346 = vector.load %arg6[%get3A_344, %get3A_345] : memref<1x512xf32, #tpu.memory_space<vmem>>, vector<1x512xf32>
      %mul3A_347 = vector.broadcast %get3A_346 : vector<1x512xf32> to vector<128x512xf32>
      %mul3A_348 = arith.mulf %mul3A_343, %mul3A_347 : vector<128x512xf32>
      %get3A_349 = arith.constant 0 : index
      %get3A_350 = arith.constant 0 : index
      %get3A_351 = vector.load %arg7[%get3A_349, %get3A_350] : memref<1x512xf32, #tpu.memory_space<vmem>>, vector<1x512xf32>
      %add3A_352 = vector.broadcast %get3A_351 : vector<1x512xf32> to vector<128x512xf32>
      %add3A_353 = arith.addf %mul3A_348, %add3A_352 : vector<128x512xf32>
      %ge3A_354 = arith.constant 0.000000e+00 : f32
      %ge3A_355 = vector.broadcast %ge3A_354 : f32 to vector<128x512xf32>
      %ge3A_356 = arith.cmpf oge, %add3A_353, %ge3A_355 : vector<128x512xf32>
      %mul3A_357 = arith.constant 2.000000e-01 : f32
      %mul3A_358 = vector.broadcast %mul3A_357 : f32 to vector<128x512xf32>
      %mul3A_359 = arith.mulf %mul3A_358, %add3A_353 : vector<128x512xf32>
      %select_n3A_360 = arith.select %ge3A_356, %add3A_353, %mul3A_359 : vector<128x512xi1>, vector<128x512xf32>
      %swap3A_361 = arith.constant 0 : index
      %swap3A_362 = arith.constant 0 : index
      %swap3A_363 = vector.load %arg13[%swap3A_361, %swap3A_362] : memref<128x512xf32, #tpu.memory_space<vmem>>, vector<128x512xf32>
      tpu.vector_store %arg13[%swap3A_361, %swap3A_362], %select_n3A_360 {strides = array<i32>} : memref<128x512xf32, #tpu.memory_space<vmem>>, vector<128x512xf32>,
      %broadcast_in_dim3A_364 = arith.constant -1.000000e+30 : f32
      %broadcast_in_dim3A_365 = vector.broadcast %broadcast_in_dim3A_364 : f32 to vector<128x128xf32>
      %swap3A_366 = arith.constant 0 : index
      %swap3A_367 = arith.constant 0 : index
      %swap3A_368 = vector.load %arg14[%swap3A_366, %swap3A_367] : memref<128x128xf32, #tpu.memory_space<vmem>>, vector<128x128xf32>
      tpu.vector_store %arg14[%swap3A_366, %swap3A_367], %broadcast_in_dim3A_365 {strides = array<i32>} : memref<128x128xf32, #tpu.memory_space<vmem>>, vector<128x128xf32>,
      %broadcast_in_dim3A_369 = arith.constant 0 : i32
      %broadcast_in_dim3A_370 = vector.broadcast %broadcast_in_dim3A_369 : i32 to vector<128x128xi32>
      %swap3A_371 = arith.constant 0 : index
      %swap3A_372 = arith.constant 0 : index
      %swap3A_373 = vector.load %arg15[%swap3A_371, %swap3A_372] : memref<128x128xi32, #tpu.memory_space<vmem>>, vector<128x128xi32>
      tpu.vector_store %arg15[%swap3A_371, %swap3A_372], %broadcast_in_dim3A_370 {strides = array<i32>} : memref<128x128xi32, #tpu.memory_space<vmem>>, vector<128x128xi32>,
    } else {
    }
    %get3A = arith.constant 0 : index
    %get3A_2 = arith.constant 0 : index
    %get3A_3 = vector.load %arg13[%get3A, %get3A_2] : memref<128x512xf32, #tpu.memory_space<vmem>>, vector<128x512xf32>
    %get3A_4 = arith.constant 0 : index
    %get3A_5 = arith.constant 0 : index
    %get3A_6 = vector.load %arg8[%get3A_4, %get3A_5] : memref<512x2048xf32, #tpu.memory_space<vmem>>, vector<512x2048xf32>
    %dot_general3A = arith.constant dense<0.000000e+00> : vector<128x2048xf32>
    %dot_general3A_7 = tpu.matmul %get3A_3, %get3A_6, %dot_general3A {dimension_numbers = #tpu.dot_dimension_numbers<[1], [0], [0], [1], [0, 0, 1, 1], [], []>, transpose_lhs_hint = false} : vector<128x512xf32>, vector<512x2048xf32>, vector<128x2048xf32> -> vector<128x2048xf32>
    %get3A_8 = arith.constant 0 : index
    %get3A_9 = arith.constant 0 : index
    %get3A_10 = vector.load %arg9[%get3A_8, %get3A_9] : memref<1x2048xf32, #tpu.memory_space<vmem>>, vector<1x2048xf32>
    %add3A = vector.broadcast %get3A_10 : vector<1x2048xf32> to vector<128x2048xf32>
    %add3A_11 = arith.addf %dot_general3A_7, %add3A : vector<128x2048xf32>
    %reduce_sum3A = arith.constant dense<0.000000e+00> : vector<2048xf32>
    %reduce_sum3A_12 = vector.multi_reduction <add>, %add3A_11, %reduce_sum3A [0] : vector<128x2048xf32> to vector<2048xf32>
    %broadcast_in_dim3A = vector.shape_cast %reduce_sum3A_12 : vector<2048xf32> to vector<1x2048xf32>
    %div3A = arith.constant 1.280000e+02 : f32
    %div3A_13 = vector.broadcast %div3A : f32 to vector<1x2048xf32>
    %div3A_14 = arith.divf %broadcast_in_dim3A, %div3A_13 : vector<1x2048xf32>
    %sub3A = vector.broadcast %div3A_14 : vector<1x2048xf32> to vector<128x2048xf32>
    %sub3A_15 = arith.subf %add3A_11, %sub3A : vector<128x2048xf32>
    %integer_pow3A = arith.mulf %sub3A_15, %sub3A_15 : vector<128x2048xf32>
    %reduce_sum3A_16 = arith.constant dense<0.000000e+00> : vector<2048xf32>
    %reduce_sum3A_17 = vector.multi_reduction <add>, %integer_pow3A, %reduce_sum3A_16 [0] : vector<128x2048xf32> to vector<2048xf32>
    %broadcast_in_dim3A_18 = vector.shape_cast %reduce_sum3A_17 : vector<2048xf32> to vector<1x2048xf32>
    %div3A_19 = arith.constant 1.280000e+02 : f32
    %div3A_20 = vector.broadcast %div3A_19 : f32 to vector<1x2048xf32>
    %div3A_21 = arith.divf %broadcast_in_dim3A_18, %div3A_20 : vector<1x2048xf32>
    %sub3A_22 = vector.broadcast %div3A_14 : vector<1x2048xf32> to vector<128x2048xf32>
    %sub3A_23 = arith.subf %add3A_11, %sub3A_22 : vector<128x2048xf32>
    %add3A_24 = arith.constant 8.000000e-01 : f32
    %add3A_25 = vector.broadcast %add3A_24 : f32 to vector<1x2048xf32>
    %add3A_26 = arith.addf %div3A_21, %add3A_25 : vector<1x2048xf32>
    %rsqrt3A = math.rsqrt %add3A_26 : vector<1x2048xf32>
    %mul3A = vector.broadcast %rsqrt3A : vector<1x2048xf32> to vector<128x2048xf32>
    %mul3A_27 = arith.mulf %sub3A_23, %mul3A : vector<128x2048xf32>
    %get3A_28 = arith.constant 0 : index
    %get3A_29 = arith.constant 0 : index
    %get3A_30 = vector.load %arg10[%get3A_28, %get3A_29] : memref<1x2048xf32, #tpu.memory_space<vmem>>, vector<1x2048xf32>
    %mul3A_31 = vector.broadcast %get3A_30 : vector<1x2048xf32> to vector<128x2048xf32>
    %mul3A_32 = arith.mulf %mul3A_27, %mul3A_31 : vector<128x2048xf32>
    %get3A_33 = arith.constant 0 : index
    %get3A_34 = arith.constant 0 : index
    %get3A_35 = vector.load %arg11[%get3A_33, %get3A_34] : memref<1x2048xf32, #tpu.memory_space<vmem>>, vector<1x2048xf32>
    %add3A_36 = vector.broadcast %get3A_35 : vector<1x2048xf32> to vector<128x2048xf32>
    %add3A_37 = arith.addf %mul3A_32, %add3A_36 : vector<128x2048xf32>
    %mul3A_38 = arith.constant 2048 : i32
    %mul3A_39 = arith.muli %arg0, %mul3A_38 : i32
    %iota3A = tpu.iota {dimensions = array<i32: 1>} : vector<128x2048xi32>
    %add3A_40 = vector.broadcast %mul3A_39 : i32 to vector<128x2048xi32>
    %add3A_41 = arith.addi %add3A_40, %iota3A : vector<128x2048xi32>
    %lt3A = arith.constant 100000 : i32
    %lt3A_42 = vector.broadcast %lt3A : i32 to vector<128x2048xi32>
    %lt3A_43 = arith.cmpi slt, %add3A_41, %lt3A_42 : vector<128x2048xi32>
    %jit3A = arith.constant -1.000000e+30 : f32
    %broadcast_in_dim3A_44 = vector.broadcast %jit3A : f32 to vector<128x2048xf32>
    %select_n3A = arith.select %lt3A_43, %add3A_37, %broadcast_in_dim3A_44 : vector<128x2048xi1>, vector<128x2048xf32>
    %get3A_45 = arith.constant 0 : index
    %get3A_46 = arith.constant 0 : index
    %get3A_47 = vector.load %arg14[%get3A_45, %get3A_46] : memref<128x128xf32, #tpu.memory_space<vmem>>, vector<128x128xf32>
    %get3A_48 = arith.constant 0 : index
    %get3A_49 = arith.constant 0 : index
    %get3A_50 = vector.load %arg15[%get3A_48, %get3A_49] : memref<128x128xi32, #tpu.memory_space<vmem>>, vector<128x128xi32>
    %concatenate3A = tpu.concatenate %get3A_47, %select_n3A in 1 : vector<128x128xf32>, vector<128x2048xf32> -> vector<128x2176xf32>
    %iota3A_51 = tpu.iota {dimensions = array<i32: 1>} : vector<128x2176xi32>
    %iota3A_52 = tpu.iota {dimensions = array<i32: 1>} : vector<128x128xi32>
    %broadcast_in_dim3A_53 = arith.constant -1.000000e+30 : f32
    %broadcast_in_dim3A_54 = vector.broadcast %broadcast_in_dim3A_53 : f32 to vector<128x128xf32>
    %broadcast_in_dim3A_55 = arith.constant 0 : i32
    %broadcast_in_dim3A_56 = vector.broadcast %broadcast_in_dim3A_55 : i32 to vector<128x128xi32>
    %reduce_max3A = arith.constant dense<0xFF800000> : vector<128xf32>
    %reduce_max3A_57 = vector.multi_reduction <maximumf>, %concatenate3A, %reduce_max3A [1] : vector<128x2176xf32> to vector<128xf32>
    %broadcast_in_dim3A_58 = vector.shape_cast %reduce_max3A_57 : vector<128xf32> to vector<128x1xf32>
    %eq3A_59 = vector.broadcast %broadcast_in_dim3A_58 : vector<128x1xf32> to vector<128x2176xf32>
    %eq3A_60 = arith.cmpf oeq, %concatenate3A, %eq3A_59 : vector<128x2176xf32>
    %jit3A_61 = arith.constant 2176 : i32
    %broadcast_in_dim3A_62 = vector.broadcast %jit3A_61 : i32 to vector<128x2176xi32>
    %select_n3A_63 = arith.select %eq3A_60, %iota3A_51, %broadcast_in_dim3A_62 : vector<128x2176xi1>, vector<128x2176xi32>
    %reduce_min3A = arith.constant dense<2147483647> : vector<128xi32>
    %reduce_min3A_64 = vector.multi_reduction <minsi>, %select_n3A_63, %reduce_min3A [1] : vector<128x2176xi32> to vector<128xi32>
    %broadcast_in_dim3A_65 = vector.shape_cast %reduce_min3A_64 : vector<128xi32> to vector<128x1xi32>
    %eq3A_66 = vector.broadcast %broadcast_in_dim3A_65 : vector<128x1xi32> to vector<128x128xi32>
    %eq3A_67 = arith.cmpi eq, %iota3A_52, %eq3A_66 : vector<128x128xi32>
    %jit3A_68 = arith.constant 0 : i32
    %broadcast_in_dim3A_69 = vector.broadcast %jit3A_68 : i32 to vector<128x128xi32>
    %select_n3A_70 = arith.select %eq3A_67, %get3A_50, %broadcast_in_dim3A_69 : vector<128x128xi1>, vector<128x128xi32>
    %reduce_sum3A_71 = arith.constant dense<0> : vector<128xi32>
    %reduce_sum3A_72 = vector.multi_reduction <add>, %select_n3A_70, %reduce_sum3A_71 [1] : vector<128x128xi32> to vector<128xi32>
    %lt3A_73 = arith.constant 128 : i32
    %lt3A_74 = vector.broadcast %lt3A_73 : i32 to vector<128xi32>
    %lt3A_75 = arith.cmpi slt, %reduce_min3A_64, %lt3A_74 : vector<128xi32>
    %add3A_76 = vector.broadcast %mul3A_39 : i32 to vector<128xi32>
    %add3A_77 = arith.addi %add3A_76, %reduce_min3A_64 : vector<128xi32>
    %sub3A_78 = arith.constant 128 : i32
    %sub3A_79 = vector.broadcast %sub3A_78 : i32 to vector<128xi32>
    %sub3A_80 = arith.subi %add3A_77, %sub3A_79 : vector<128xi32>
    %select_n3A_81 = arith.select %lt3A_75, %reduce_sum3A_72, %sub3A_80 : vector<128xi1>, vector<128xi32>
    %eq3A_82 = arith.constant 0 : i32
    %eq3A_83 = vector.broadcast %eq3A_82 : i32 to vector<128x128xi32>
    %eq3A_84 = arith.cmpi eq, %iota3A_52, %eq3A_83 : vector<128x128xi32>
    %broadcast_in_dim3A_85 = vector.shape_cast %reduce_max3A_57 : vector<128xf32> to vector<128x1xf32>
    %broadcast_in_dim3A_86 = vector.shape_cast %broadcast_in_dim3A_85 : vector<128x1xf32> to vector<128x1xf32>
    %broadcast_in_dim3A_87 = vector.broadcast %broadcast_in_dim3A_86 : vector<128x1xf32> to vector<128x128xf32>
    %select_n3A_88 = arith.select %eq3A_84, %broadcast_in_dim3A_87, %broadcast_in_dim3A_54 : vector<128x128xi1>, vector<128x128xf32>
    %eq3A_89 = arith.constant 0 : i32
    %eq3A_90 = vector.broadcast %eq3A_89 : i32 to vector<128x128xi32>
    %eq3A_91 = arith.cmpi eq, %iota3A_52, %eq3A_90 : vector<128x128xi32>
    %broadcast_in_dim3A_92 = vector.shape_cast %select_n3A_81 : vector<128xi32> to vector<128x1xi32>
    %broadcast_in_dim3A_93 = vector.shape_cast %broadcast_in_dim3A_92 : vector<128x1xi32> to vector<128x1xi32>
    %broadcast_in_dim3A_94 = vector.broadcast %broadcast_in_dim3A_93 : vector<128x1xi32> to vector<128x128xi32>
    %select_n3A_95 = arith.select %eq3A_91, %broadcast_in_dim3A_94, %broadcast_in_dim3A_56 : vector<128x128xi1>, vector<128x128xi32>
    %broadcast_in_dim3A_96 = vector.shape_cast %reduce_min3A_64 : vector<128xi32> to vector<128x1xi32>
    %eq3A_97 = vector.broadcast %broadcast_in_dim3A_96 : vector<128x1xi32> to vector<128x2176xi32>
    %eq3A_98 = arith.cmpi eq, %iota3A_51, %eq3A_97 : vector<128x2176xi32>
    %jit3A_99 = arith.constant -1.000000e+30 : f32
    %broadcast_in_dim3A_100 = vector.broadcast %jit3A_99 : f32 to vector<128x2176xf32>
    %select_n3A_101 = arith.select %eq3A_98, %broadcast_in_dim3A_100, %concatenate3A : vector<128x2176xi1>, vector<128x2176xf32>
    %reduce_max3A_102 = arith.constant dense<0xFF800000> : vector<128xf32>
    %reduce_max3A_103 = vector.multi_reduction <maximumf>, %select_n3A_101, %reduce_max3A_102 [1] : vector<128x2176xf32> to vector<128xf32>
    %broadcast_in_dim3A_104 = vector.shape_cast %reduce_max3A_103 : vector<128xf32> to vector<128x1xf32>
    %eq3A_105 = vector.broadcast %broadcast_in_dim3A_104 : vector<128x1xf32> to vector<128x2176xf32>
    %eq3A_106 = arith.cmpf oeq, %select_n3A_101, %eq3A_105 : vector<128x2176xf32>
    %jit3A_107 = arith.constant 2176 : i32
    %broadcast_in_dim3A_108 = vector.broadcast %jit3A_107 : i32 to vector<128x2176xi32>
    %select_n3A_109 = arith.select %eq3A_106, %iota3A_51, %broadcast_in_dim3A_108 : vector<128x2176xi1>, vector<128x2176xi32>
    %reduce_min3A_110 = arith.constant dense<2147483647> : vector<128xi32>
    %reduce_min3A_111 = vector.multi_reduction <minsi>, %select_n3A_109, %reduce_min3A_110 [1] : vector<128x2176xi32> to vector<128xi32>
    %broadcast_in_dim3A_112 = vector.shape_cast %reduce_min3A_111 : vector<128xi32> to vector<128x1xi32>
    %eq3A_113 = vector.broadcast %broadcast_in_dim3A_112 : vector<128x1xi32> to vector<128x128xi32>
    %eq3A_114 = arith.cmpi eq, %iota3A_52, %eq3A_113 : vector<128x128xi32>
    %jit3A_115 = arith.constant 0 : i32
    %broadcast_in_dim3A_116 = vector.broadcast %jit3A_115 : i32 to vector<128x128xi32>
    %select_n3A_117 = arith.select %eq3A_114, %get3A_50, %broadcast_in_dim3A_116 : vector<128x128xi1>, vector<128x128xi32>
    %reduce_sum3A_118 = arith.constant dense<0> : vector<128xi32>
    %reduce_sum3A_119 = vector.multi_reduction <add>, %select_n3A_117, %reduce_sum3A_118 [1] : vector<128x128xi32> to vector<128xi32>
    %lt3A_120 = arith.constant 128 : i32
    %lt3A_121 = vector.broadcast %lt3A_120 : i32 to vector<128xi32>
    %lt3A_122 = arith.cmpi slt, %reduce_min3A_111, %lt3A_121 : vector<128xi32>
    %add3A_123 = vector.broadcast %mul3A_39 : i32 to vector<128xi32>
    %add3A_124 = arith.addi %add3A_123, %reduce_min3A_111 : vector<128xi32>
    %sub3A_125 = arith.constant 128 : i32
    %sub3A_126 = vector.broadcast %sub3A_125 : i32 to vector<128xi32>
    %sub3A_127 = arith.subi %add3A_124, %sub3A_126 : vector<128xi32>
    %select_n3A_128 = arith.select %lt3A_122, %reduce_sum3A_119, %sub3A_127 : vector<128xi1>, vector<128xi32>
    %eq3A_129 = arith.constant 1 : i32
    %eq3A_130 = vector.broadcast %eq3A_129 : i32 to vector<128x128xi32>
    %eq3A_131 = arith.cmpi eq, %iota3A_52, %eq3A_130 : vector<128x128xi32>
    %broadcast_in_dim3A_132 = vector.shape_cast %reduce_max3A_103 : vector<128xf32> to vector<128x1xf32>
    %broadcast_in_dim3A_133 = vector.shape_cast %broadcast_in_dim3A_132 : vector<128x1xf32> to vector<128x1xf32>
    %broadcast_in_dim3A_134 = vector.broadcast %broadcast_in_dim3A_133 : vector<128x1xf32> to vector<128x128xf32>
    %select_n3A_135 = arith.select %eq3A_131, %broadcast_in_dim3A_134, %select_n3A_88 : vector<128x128xi1>, vector<128x128xf32>
    %eq3A_136 = arith.constant 1 : i32
    %eq3A_137 = vector.broadcast %eq3A_136 : i32 to vector<128x128xi32>
    %eq3A_138 = arith.cmpi eq, %iota3A_52, %eq3A_137 : vector<128x128xi32>
    %broadcast_in_dim3A_139 = vector.shape_cast %select_n3A_128 : vector<128xi32> to vector<128x1xi32>
    %broadcast_in_dim3A_140 = vector.shape_cast %broadcast_in_dim3A_139 : vector<128x1xi32> to vector<128x1xi32>
    %broadcast_in_dim3A_141 = vector.broadcast %broadcast_in_dim3A_140 : vector<128x1xi32> to vector<128x128xi32>
    %select_n3A_142 = arith.select %eq3A_138, %broadcast_in_dim3A_141, %select_n3A_95 : vector<128x128xi1>, vector<128x128xi32>
    %broadcast_in_dim3A_143 = vector.shape_cast %reduce_min3A_111 : vector<128xi32> to vector<128x1xi32>
    %eq3A_144 = vector.broadcast %broadcast_in_dim3A_143 : vector<128x1xi32> to vector<128x2176xi32>
    %eq3A_145 = arith.cmpi eq, %iota3A_51, %eq3A_144 : vector<128x2176xi32>
    %jit3A_146 = arith.constant -1.000000e+30 : f32
    %broadcast_in_dim3A_147 = vector.broadcast %jit3A_146 : f32 to vector<128x2176xf32>
    %select_n3A_148 = arith.select %eq3A_145, %broadcast_in_dim3A_147, %select_n3A_101 : vector<128x2176xi1>, vector<128x2176xf32>
    %reduce_max3A_149 = arith.constant dense<0xFF800000> : vector<128xf32>
    %reduce_max3A_150 = vector.multi_reduction <maximumf>, %select_n3A_148, %reduce_max3A_149 [1] : vector<128x2176xf32> to vector<128xf32>
    %broadcast_in_dim3A_151 = vector.shape_cast %reduce_max3A_150 : vector<128xf32> to vector<128x1xf32>
    %eq3A_152 = vector.broadcast %broadcast_in_dim3A_151 : vector<128x1xf32> to vector<128x2176xf32>
    %eq3A_153 = arith.cmpf oeq, %select_n3A_148, %eq3A_152 : vector<128x2176xf32>
    %jit3A_154 = arith.constant 2176 : i32
    %broadcast_in_dim3A_155 = vector.broadcast %jit3A_154 : i32 to vector<128x2176xi32>
    %select_n3A_156 = arith.select %eq3A_153, %iota3A_51, %broadcast_in_dim3A_155 : vector<128x2176xi1>, vector<128x2176xi32>
    %reduce_min3A_157 = arith.constant dense<2147483647> : vector<128xi32>
    %reduce_min3A_158 = vector.multi_reduction <minsi>, %select_n3A_156, %reduce_min3A_157 [1] : vector<128x2176xi32> to vector<128xi32>
    %broadcast_in_dim3A_159 = vector.shape_cast %reduce_min3A_158 : vector<128xi32> to vector<128x1xi32>
    %eq3A_160 = vector.broadcast %broadcast_in_dim3A_159 : vector<128x1xi32> to vector<128x128xi32>
    %eq3A_161 = arith.cmpi eq, %iota3A_52, %eq3A_160 : vector<128x128xi32>
    %jit3A_162 = arith.constant 0 : i32
    %broadcast_in_dim3A_163 = vector.broadcast %jit3A_162 : i32 to vector<128x128xi32>
    %select_n3A_164 = arith.select %eq3A_161, %get3A_50, %broadcast_in_dim3A_163 : vector<128x128xi1>, vector<128x128xi32>
    %reduce_sum3A_165 = arith.constant dense<0> : vector<128xi32>
    %reduce_sum3A_166 = vector.multi_reduction <add>, %select_n3A_164, %reduce_sum3A_165 [1] : vector<128x128xi32> to vector<128xi32>
    %lt3A_167 = arith.constant 128 : i32
    %lt3A_168 = vector.broadcast %lt3A_167 : i32 to vector<128xi32>
    %lt3A_169 = arith.cmpi slt, %reduce_min3A_158, %lt3A_168 : vector<128xi32>
    %add3A_170 = vector.broadcast %mul3A_39 : i32 to vector<128xi32>
    %add3A_171 = arith.addi %add3A_170, %reduce_min3A_158 : vector<128xi32>
    %sub3A_172 = arith.constant 128 : i32
    %sub3A_173 = vector.broadcast %sub3A_172 : i32 to vector<128xi32>
    %sub3A_174 = arith.subi %add3A_171, %sub3A_173 : vector<128xi32>
    %select_n3A_175 = arith.select %lt3A_169, %reduce_sum3A_166, %sub3A_174 : vector<128xi1>, vector<128xi32>
    %eq3A_176 = arith.constant 2 : i32
    %eq3A_177 = vector.broadcast %eq3A_176 : i32 to vector<128x128xi32>
    %eq3A_178 = arith.cmpi eq, %iota3A_52, %eq3A_177 : vector<128x128xi32>
    %broadcast_in_dim3A_179 = vector.shape_cast %reduce_max3A_150 : vector<128xf32> to vector<128x1xf32>
    %broadcast_in_dim3A_180 = vector.shape_cast %broadcast_in_dim3A_179 : vector<128x1xf32> to vector<128x1xf32>
    %broadcast_in_dim3A_181 = vector.broadcast %broadcast_in_dim3A_180 : vector<128x1xf32> to vector<128x128xf32>
    %select_n3A_182 = arith.select %eq3A_178, %broadcast_in_dim3A_181, %select_n3A_135 : vector<128x128xi1>, vector<128x128xf32>
    %eq3A_183 = arith.constant 2 : i32
    %eq3A_184 = vector.broadcast %eq3A_183 : i32 to vector<128x128xi32>
    %eq3A_185 = arith.cmpi eq, %iota3A_52, %eq3A_184 : vector<128x128xi32>
    %broadcast_in_dim3A_186 = vector.shape_cast %select_n3A_175 : vector<128xi32> to vector<128x1xi32>
    %broadcast_in_dim3A_187 = vector.shape_cast %broadcast_in_dim3A_186 : vector<128x1xi32> to vector<128x1xi32>
    %broadcast_in_dim3A_188 = vector.broadcast %broadcast_in_dim3A_187 : vector<128x1xi32> to vector<128x128xi32>
    %select_n3A_189 = arith.select %eq3A_185, %broadcast_in_dim3A_188, %select_n3A_142 : vector<128x128xi1>, vector<128x128xi32>
    %broadcast_in_dim3A_190 = vector.shape_cast %reduce_min3A_158 : vector<128xi32> to vector<128x1xi32>
    %eq3A_191 = vector.broadcast %broadcast_in_dim3A_190 : vector<128x1xi32> to vector<128x2176xi32>
    %eq3A_192 = arith.cmpi eq, %iota3A_51, %eq3A_191 : vector<128x2176xi32>
    %jit3A_193 = arith.constant -1.000000e+30 : f32
    %broadcast_in_dim3A_194 = vector.broadcast %jit3A_193 : f32 to vector<128x2176xf32>
    %select_n3A_195 = arith.select %eq3A_192, %broadcast_in_dim3A_194, %select_n3A_148 : vector<128x2176xi1>, vector<128x2176xf32>
    %reduce_max3A_196 = arith.constant dense<0xFF800000> : vector<128xf32>
    %reduce_max3A_197 = vector.multi_reduction <maximumf>, %select_n3A_195, %reduce_max3A_196 [1] : vector<128x2176xf32> to vector<128xf32>
    %broadcast_in_dim3A_198 = vector.shape_cast %reduce_max3A_197 : vector<128xf32> to vector<128x1xf32>
    %eq3A_199 = vector.broadcast %broadcast_in_dim3A_198 : vector<128x1xf32> to vector<128x2176xf32>
    %eq3A_200 = arith.cmpf oeq, %select_n3A_195, %eq3A_199 : vector<128x2176xf32>
    %jit3A_201 = arith.constant 2176 : i32
    %broadcast_in_dim3A_202 = vector.broadcast %jit3A_201 : i32 to vector<128x2176xi32>
    %select_n3A_203 = arith.select %eq3A_200, %iota3A_51, %broadcast_in_dim3A_202 : vector<128x2176xi1>, vector<128x2176xi32>
    %reduce_min3A_204 = arith.constant dense<2147483647> : vector<128xi32>
    %reduce_min3A_205 = vector.multi_reduction <minsi>, %select_n3A_203, %reduce_min3A_204 [1] : vector<128x2176xi32> to vector<128xi32>
    %broadcast_in_dim3A_206 = vector.shape_cast %reduce_min3A_205 : vector<128xi32> to vector<128x1xi32>
    %eq3A_207 = vector.broadcast %broadcast_in_dim3A_206 : vector<128x1xi32> to vector<128x128xi32>
    %eq3A_208 = arith.cmpi eq, %iota3A_52, %eq3A_207 : vector<128x128xi32>
    %jit3A_209 = arith.constant 0 : i32
    %broadcast_in_dim3A_210 = vector.broadcast %jit3A_209 : i32 to vector<128x128xi32>
    %select_n3A_211 = arith.select %eq3A_208, %get3A_50, %broadcast_in_dim3A_210 : vector<128x128xi1>, vector<128x128xi32>
    %reduce_sum3A_212 = arith.constant dense<0> : vector<128xi32>
    %reduce_sum3A_213 = vector.multi_reduction <add>, %select_n3A_211, %reduce_sum3A_212 [1] : vector<128x128xi32> to vector<128xi32>
    %lt3A_214 = arith.constant 128 : i32
    %lt3A_215 = vector.broadcast %lt3A_214 : i32 to vector<128xi32>
    %lt3A_216 = arith.cmpi slt, %reduce_min3A_205, %lt3A_215 : vector<128xi32>
    %add3A_217 = vector.broadcast %mul3A_39 : i32 to vector<128xi32>
    %add3A_218 = arith.addi %add3A_217, %reduce_min3A_205 : vector<128xi32>
    %sub3A_219 = arith.constant 128 : i32
    %sub3A_220 = vector.broadcast %sub3A_219 : i32 to vector<128xi32>
    %sub3A_221 = arith.subi %add3A_218, %sub3A_220 : vector<128xi32>
    %select_n3A_222 = arith.select %lt3A_216, %reduce_sum3A_213, %sub3A_221 : vector<128xi1>, vector<128xi32>
    %eq3A_223 = arith.constant 3 : i32
    %eq3A_224 = vector.broadcast %eq3A_223 : i32 to vector<128x128xi32>
    %eq3A_225 = arith.cmpi eq, %iota3A_52, %eq3A_224 : vector<128x128xi32>
    %broadcast_in_dim3A_226 = vector.shape_cast %reduce_max3A_197 : vector<128xf32> to vector<128x1xf32>
    %broadcast_in_dim3A_227 = vector.shape_cast %broadcast_in_dim3A_226 : vector<128x1xf32> to vector<128x1xf32>
    %broadcast_in_dim3A_228 = vector.broadcast %broadcast_in_dim3A_227 : vector<128x1xf32> to vector<128x128xf32>
    %select_n3A_229 = arith.select %eq3A_225, %broadcast_in_dim3A_228, %select_n3A_182 : vector<128x128xi1>, vector<128x128xf32>
    %eq3A_230 = arith.constant 3 : i32
    %eq3A_231 = vector.broadcast %eq3A_230 : i32 to vector<128x128xi32>
    %eq3A_232 = arith.cmpi eq, %iota3A_52, %eq3A_231 : vector<128x128xi32>
    %broadcast_in_dim3A_233 = vector.shape_cast %select_n3A_222 : vector<128xi32> to vector<128x1xi32>
    %broadcast_in_dim3A_234 = vector.shape_cast %broadcast_in_dim3A_233 : vector<128x1xi32> to vector<128x1xi32>
    %broadcast_in_dim3A_235 = vector.broadcast %broadcast_in_dim3A_234 : vector<128x1xi32> to vector<128x128xi32>
    %select_n3A_236 = arith.select %eq3A_232, %broadcast_in_dim3A_235, %select_n3A_189 : vector<128x128xi1>, vector<128x128xi32>
    %broadcast_in_dim3A_237 = vector.shape_cast %reduce_min3A_205 : vector<128xi32> to vector<128x1xi32>
    %eq3A_238 = vector.broadcast %broadcast_in_dim3A_237 : vector<128x1xi32> to vector<128x2176xi32>
    %eq3A_239 = arith.cmpi eq, %iota3A_51, %eq3A_238 : vector<128x2176xi32>
    %jit3A_240 = arith.constant -1.000000e+30 : f32
    %broadcast_in_dim3A_241 = vector.broadcast %jit3A_240 : f32 to vector<128x2176xf32>
    %select_n3A_242 = arith.select %eq3A_239, %broadcast_in_dim3A_241, %select_n3A_195 : vector<128x2176xi1>, vector<128x2176xf32>
    %reduce_max3A_243 = arith.constant dense<0xFF800000> : vector<128xf32>
    %reduce_max3A_244 = vector.multi_reduction <maximumf>, %select_n3A_242, %reduce_max3A_243 [1] : vector<128x2176xf32> to vector<128xf32>
    %broadcast_in_dim3A_245 = vector.shape_cast %reduce_max3A_244 : vector<128xf32> to vector<128x1xf32>
    %eq3A_246 = vector.broadcast %broadcast_in_dim3A_245 : vector<128x1xf32> to vector<128x2176xf32>
    %eq3A_247 = arith.cmpf oeq, %select_n3A_242, %eq3A_246 : vector<128x2176xf32>
    %jit3A_248 = arith.constant 2176 : i32
    %broadcast_in_dim3A_249 = vector.broadcast %jit3A_248 : i32 to vector<128x2176xi32>
    %select_n3A_250 = arith.select %eq3A_247, %iota3A_51, %broadcast_in_dim3A_249 : vector<128x2176xi1>, vector<128x2176xi32>
    %reduce_min3A_251 = arith.constant dense<2147483647> : vector<128xi32>
    %reduce_min3A_252 = vector.multi_reduction <minsi>, %select_n3A_250, %reduce_min3A_251 [1] : vector<128x2176xi32> to vector<128xi32>
    %broadcast_in_dim3A_253 = vector.shape_cast %reduce_min3A_252 : vector<128xi32> to vector<128x1xi32>
    %eq3A_254 = vector.broadcast %broadcast_in_dim3A_253 : vector<128x1xi32> to vector<128x128xi32>
    %eq3A_255 = arith.cmpi eq, %iota3A_52, %eq3A_254 : vector<128x128xi32>
    %jit3A_256 = arith.constant 0 : i32
    %broadcast_in_dim3A_257 = vector.broadcast %jit3A_256 : i32 to vector<128x128xi32>
    %select_n3A_258 = arith.select %eq3A_255, %get3A_50, %broadcast_in_dim3A_257 : vector<128x128xi1>, vector<128x128xi32>
    %reduce_sum3A_259 = arith.constant dense<0> : vector<128xi32>
    %reduce_sum3A_260 = vector.multi_reduction <add>, %select_n3A_258, %reduce_sum3A_259 [1] : vector<128x128xi32> to vector<128xi32>
    %lt3A_261 = arith.constant 128 : i32
    %lt3A_262 = vector.broadcast %lt3A_261 : i32 to vector<128xi32>
    %lt3A_263 = arith.cmpi slt, %reduce_min3A_252, %lt3A_262 : vector<128xi32>
    %add3A_264 = vector.broadcast %mul3A_39 : i32 to vector<128xi32>
    %add3A_265 = arith.addi %add3A_264, %reduce_min3A_252 : vector<128xi32>
    %sub3A_266 = arith.constant 128 : i32
    %sub3A_267 = vector.broadcast %sub3A_266 : i32 to vector<128xi32>
    %sub3A_268 = arith.subi %add3A_265, %sub3A_267 : vector<128xi32>
    %select_n3A_269 = arith.select %lt3A_263, %reduce_sum3A_260, %sub3A_268 : vector<128xi1>, vector<128xi32>
    %eq3A_270 = arith.constant 4 : i32
    %eq3A_271 = vector.broadcast %eq3A_270 : i32 to vector<128x128xi32>
    %eq3A_272 = arith.cmpi eq, %iota3A_52, %eq3A_271 : vector<128x128xi32>
    %broadcast_in_dim3A_273 = vector.shape_cast %reduce_max3A_244 : vector<128xf32> to vector<128x1xf32>
    %broadcast_in_dim3A_274 = vector.shape_cast %broadcast_in_dim3A_273 : vector<128x1xf32> to vector<128x1xf32>
    %broadcast_in_dim3A_275 = vector.broadcast %broadcast_in_dim3A_274 : vector<128x1xf32> to vector<128x128xf32>
    %select_n3A_276 = arith.select %eq3A_272, %broadcast_in_dim3A_275, %select_n3A_229 : vector<128x128xi1>, vector<128x128xf32>
    %eq3A_277 = arith.constant 4 : i32
    %eq3A_278 = vector.broadcast %eq3A_277 : i32 to vector<128x128xi32>
    %eq3A_279 = arith.cmpi eq, %iota3A_52, %eq3A_278 : vector<128x128xi32>
    %broadcast_in_dim3A_280 = vector.shape_cast %select_n3A_269 : vector<128xi32> to vector<128x1xi32>
    %broadcast_in_dim3A_281 = vector.shape_cast %broadcast_in_dim3A_280 : vector<128x1xi32> to vector<128x1xi32>
    %broadcast_in_dim3A_282 = vector.broadcast %broadcast_in_dim3A_281 : vector<128x1xi32> to vector<128x128xi32>
    %select_n3A_283 = arith.select %eq3A_279, %broadcast_in_dim3A_282, %select_n3A_236 : vector<128x128xi1>, vector<128x128xi32>
    %swap3A = arith.constant 0 : index
    %swap3A_284 = arith.constant 0 : index
    %swap3A_285 = vector.load %arg14[%swap3A, %swap3A_284] : memref<128x128xf32, #tpu.memory_space<vmem>>, vector<128x128xf32>
    tpu.vector_store %arg14[%swap3A, %swap3A_284], %select_n3A_276 {strides = array<i32>} : memref<128x128xf32, #tpu.memory_space<vmem>>, vector<128x128xf32>,
    %swap3A_286 = arith.constant 0 : index
    %swap3A_287 = arith.constant 0 : index
    %swap3A_288 = vector.load %arg15[%swap3A_286, %swap3A_287] : memref<128x128xi32, #tpu.memory_space<vmem>>, vector<128x128xi32>
    tpu.vector_store %arg15[%swap3A_286, %swap3A_287], %select_n3A_283 {strides = array<i32>} : memref<128x128xi32, #tpu.memory_space<vmem>>, vector<128x128xi32>,
    %swap3A_289 = arith.constant 0 : index
    %swap3A_290 = arith.constant 0 : index
    %swap3A_291 = vector.load %arg12[%swap3A_289, %swap3A_290] : memref<128x128xi32, #tpu.memory_space<vmem>>, vector<128x128xi32>
    tpu.vector_store %arg12[%swap3A_289, %swap3A_290], %select_n3A_283 {strides = array<i32>} : memref<128x128xi32, #tpu.memory_space<vmem>>, vector<128x128xi32>,
    return
  }
  func.func @transform_0(%arg0: i32) -> (i32, i32) {
    %c0_i32 = arith.constant 0 : i32
    %c0_i32_0 = arith.constant 0 : i32
    %c0_i32_1 = arith.constant 0 : i32
    return %c0_i32, %c0_i32_0 : i32, i32
  }
  func.func @transform_1(%arg0: i32) -> (i32, i32) {
    %c0_i32 = arith.constant 0 : i32
    %c0_i32_0 = arith.constant 0 : i32
    %c0_i32_1 = arith.constant 0 : i32
    return %c0_i32, %c0_i32_0 : i32, i32
  }
  func.func @transform_2(%arg0: i32) -> (i32, i32) {
    %c0_i32 = arith.constant 0 : i32
    %c0_i32_0 = arith.constant 0 : i32
    %c0_i32_1 = arith.constant 0 : i32
    return %c0_i32, %c0_i32_0 : i32, i32
  }
  func.func @transform_3(%arg0: i32) -> (i32, i32) {
    %c0_i32 = arith.constant 0 : i32
    %c0_i32_0 = arith.constant 0 : i32
    %c0_i32_1 = arith.constant 0 : i32
    return %c0_i32, %c0_i32_0 : i32, i32
  }
  func.func @transform_4(%arg0: i32) -> (i32, i32) {
    %c0_i32 = arith.constant 0 : i32
    %c0_i32_0 = arith.constant 0 : i32
    %c0_i32_1 = arith.constant 0 : i32
    return %c0_i32, %c0_i32_0 : i32, i32
  }
  func.func @transform_5(%arg0: i32) -> (i32, i32) {
    %c0_i32 = arith.constant 0 : i32
    %c0_i32_0 = arith.constant 0 : i32
    %c0_i32_1 = arith.constant 0 : i32
    return %c0_i32, %c0_i32_0 : i32, i32
  }
  func.func @transform_6(%arg0: i32) -> (i32, i32) {
    %c0_i32 = arith.constant 0 : i32
    %c0_i32_0 = arith.constant 0 : i32
    %c0_i32_1 = arith.constant 0 : i32
    return %c0_i32, %c0_i32_0 : i32, i32
  }
  func.func @transform_7(%arg0: i32) -> (i32, i32) {
    %c0_i32 = arith.constant 0 : i32
    %c0_i32_0 = arith.constant 0 : i32
    return %c0_i32, %arg0 : i32, i32
  }
  func.func @transform_8(%arg0: i32) -> (i32, i32) {
    %c0_i32 = arith.constant 0 : i32
    %c0_i32_0 = arith.constant 0 : i32
    return %c0_i32, %arg0 : i32, i32
  }
  func.func @transform_9(%arg0: i32) -> (i32, i32) {
    %c0_i32 = arith.constant 0 : i32
    %c0_i32_0 = arith.constant 0 : i32
    return %c0_i32, %arg0 : i32, i32
  }
  func.func @transform_10(%arg0: i32) -> (i32, i32) {
    %c0_i32 = arith.constant 0 : i32
    %c0_i32_0 = arith.constant 0 : i32
    return %c0_i32, %arg0 : i32, i32
  }
  func.func @transform_11(%arg0: i32) -> (i32, i32) {
    %c0_i32 = arith.constant 0 : i32
    %c0_i32_0 = arith.constant 0 : i32
    %c0_i32_1 = arith.constant 0 : i32
    return %c0_i32, %c0_i32_0 : i32, i32
  }
}

module attributes {stable_mosaic.version = 14 : i64} {
  func.func @_onehot_body(%arg0: i32, %arg1: memref<640x1xi32, #tpu.memory_space<vmem>>, %arg2: memref<640x4096xf32, #tpu.memory_space<vmem>>) attributes {dimension_semantics = [#tpu.dimension_semantics<arbitrary>], iteration_bounds = array<i64: 25>, scalar_prefetch = 0 : i64, scratch_operands = 0 : i64, tpu.core_type = #tpu.core_type<tc>, window_params = [{pipeline_mode = #tpu.pipeline_mode<synchronous>, transform_indices = @transform_0, window_bounds = array<i64: 640, 1>}, {transform_indices = @transform_1, window_bounds = array<i64: 640, 4096>}]} {
    %mul3A = arith.constant 4096 : i32
    %mul3A_0 = arith.muli %arg0, %mul3A : i32
    %iota3A = tpu.iota {dimensions = array<i32: 1>} : vector<640x4096xi32>
    %add3A = vector.broadcast %mul3A_0 : i32 to vector<640x4096xi32>
    %add3A_1 = arith.addi %add3A, %iota3A : vector<640x4096xi32>
    %get3A = arith.constant 0 : index
    %get3A_2 = arith.constant 0 : index
    %get3A_3 = vector.load %arg1[%get3A, %get3A_2] : memref<640x1xi32, #tpu.memory_space<vmem>>, vector<640x1xi32>
    %eq3A = vector.broadcast %get3A_3 : vector<640x1xi32> to vector<640x4096xi32>
    %eq3A_4 = arith.cmpi eq, %add3A_1, %eq3A : vector<640x4096xi32>
    %jit3A = arith.constant 1.000000e+00 : f32
    %jit3A_5 = arith.constant 0.000000e+00 : f32
    %broadcast_in_dim3A = vector.broadcast %jit3A : f32 to vector<640x4096xf32>
    %broadcast_in_dim3A_6 = vector.broadcast %jit3A_5 : f32 to vector<640x4096xf32>
    %select_n3A = arith.select %eq3A_4, %broadcast_in_dim3A, %broadcast_in_dim3A_6 : vector<640x4096xi1>, vector<640x4096xf32>
    %swap3A = arith.constant 0 : index
    %swap3A_7 = arith.constant 0 : index
    %swap3A_8 = vector.load %arg2[%swap3A, %swap3A_7] : memref<640x4096xf32, #tpu.memory_space<vmem>>, vector<640x4096xf32>
    tpu.vector_store %arg2[%swap3A, %swap3A_7], %select_n3A {strides = array<i32>} : memref<640x4096xf32, #tpu.memory_space<vmem>>, vector<640x4096xf32>,
    return
  }
  func.func @transform_0(%arg0: i32) -> (i32, i32) {
    %c0_i32 = arith.constant 0 : i32
    %c0_i32_0 = arith.constant 0 : i32
    %c0_i32_1 = arith.constant 0 : i32
    return %c0_i32, %c0_i32_0 : i32, i32
  }
  func.func @transform_1(%arg0: i32) -> (i32, i32) {
    %c0_i32 = arith.constant 0 : i32
    %c0_i32_0 = arith.constant 0 : i32
    return %c0_i32, %arg0 : i32, i32
  }
}

</mosaic_0001>

<sc_bundles>
// kernel: sparse-core-data-format-call.cloned.1.call-start
scs
called_computation_lowered:
.L_overlay_start_0:
0x0: {  	s2 =	sld [smem:$0x3FD9]  }
0x1: {  	s3 =	sld [smem:$0x3FFE];
	_ =	sdelay $0x1  }
0x2: {  	s1 =	srdreg.scid  }
0x3: {  	s0 =	sand.u32 $0x1, s1  }
0x4: {  	s15 =	sshll.u32 s0, $0xA;
	s2 =	sadd.s32 s3, s2  }
0x5: {  	s2 =	sadd.s32 s2, s15  }
0x6: {  	[smem:$0x3FBD] =	sst s2  }
0x7: {  	_ = 	snop  }
0x8: {  	s2 =	sld [smem:$0x3FD0];
	_ =	sdelay $0x2  }
0x9: {  	s16 =	simm.s32 $0xA;
	s4 =	simm.s32 $0x10  }
0xa: {  	[smem:s4], [sflag:s16] =	dma.local [hbm:s2], $0x1  }
0xb: {  	_ =	swait.eq [sflag:s16], $0x1  }
0xc: {  	[sflag:s16] =	ssyncset.done $0x0  }
0xd: {  	[sflag:s16] =	ssyncadd.s32 $0xFFFFFFFF  }
0xe: {  	s17 =	sld [smem:$0x10];
	(tm) =	ssettm $0x1  }
0xf: {  	s18 =	sld [smem:$0x3FFB];
	_ =	sdelay $0x3  }
0x10: {  	_ =	strace s18  }
0x11: {  	s3 =	sld [smem:$0x3FFC];
	_ =	sdelay $0x3  }
0x12: {  	_ =	strace s3  }
0x13: {  	s3 =	sld [smem:$0x3FFD];
	_ =	sdelay $0x3  }
0x14: {  	_ =	strace s3  }
0x15: {  	_ =	strace $0x8FFFFFFF  }
0x16: {  	s19 =	sld [smem:$0x3FDB];
	_ =	sdelay $0x1  }
0x17: {  	s20 =	simm.s32 $_scs_section_size  }
0x18: {  	s5 =	simm.s32 $_size__tile_overlayer_lowered;
	s6 =	simm.s32 $_tile_overlayer_lowered  }
0x19: {  	s23 =	simm.s32 $0x1BFF;
	s22 =	sshll.u32 s6, $0x1;
	s3 =	sadd.s32 s20, s19  }
0x1a: {  	s7 =	simm.s32 $0x0;
	s21 =	sshll.u32 s5, $0x1;
	s5 =	sadd.s32 s22, s3  }
0x1b: {  	[timem:s7], [sflag:s23] =	dma.local [hbm:s5], s21  }
0x1c: {  	_ =	swait.ge [sflag:s23], s21  }
0x1d: {  	s4 =	ssub.s32 $0x0, s21;
	[sflag:s23] =	ssyncset.done $0x0  }
0x1e: {  	[sflag:s23] =	ssyncadd.s32 s4;
	_ =	sdelay $0x1  }
0x1f: {  	s24 =	simm.s32 $0x1B8B  }
0x20: {  	_ =	swait.ge [sflag:s24], $0x1  }
0x21: {  	[sflag:s24] =	ssyncset.done $0x0  }
0x22: {  	s26 =	simm.s32 $0x1B8E;
	s25 =	sld [smem:$0x3FFE];
	[sflag:s24] =	ssyncadd.s32 $0xFFFFFFFF  }
0x23: {  	s27 =	simm.s32 $execute0_lowered;
	[smem:$0x3FD2] =	sst s26  }
0x24: {  	s5 =	sshll.u32 s27, $0x1;
	_ =	strace $0x80000046;
	[dreg:$0x1] =	wrdreg $0xFFFFFFFF  }
0x25: {  	s28 =	simm.s32 $_size_execute0_lowered;
	s3 =	sadd.s32 s3, s5;
	[dreg:$0x0] =	wrdreg $0x0  }
0x26: {  	s5 =	sshll.u32 s28, $0x1;
	[dreg:$0x2] =	wrdreg s3  }
0x27: {  	[dreg:$0x3] =	wrdreg s5  }
0x28: {  	[dreg:$0x4] =	wrdreg $0xC0  }
0x29: {  	_ =	task [dreg:s7], $0x5FFFF  }
0x2a: {  	[dreg:$0x1] =	wrdreg $0xFFFFFFFF  }
0x2b: {  	[dreg:$0x0] =	wrdreg $0x60  }
0x2c: {  	[dreg:$0x2] =	wrdreg s25  }
0x2d: {  	[dreg:$0x3] =	wrdreg s17  }
0x2e: {  	[dreg:$0x4] =	wrdreg $0x9  }
0x2f: {  	_ =	task.clear_ibuf [dreg:s7], $0x5FFFF;
	_ =	strace $0x90000046  }
0x30: {  	s29 =	simm.s32 $0x9;
	_ =	strace $0x80000048  }
0x31: {  	_ =	swait.ge [sflag:s29], $0x1  }
0x32: {  	[sflag:s29] =	ssyncadd.s32 $0xFFFFFFFF  }
0x33: {  	_ =	strace $0x90000048  }
0x34: {  	_ =	sfence  }
0x35: {  	s30 =	sld [smem:$0x0];
	_ =	sdelay $0x2  }
0x36: {  	s31 =	sshll.u32 s1, $0xD;
	s1 =	sshrl.u32 s1, $0x2  }
0x37: {  	s3 =	sand.u32 $0x4000, s31;
	s1 =	sadd.s32 s1, s30  }
0x38: {  	s0 =	sor.u32 s3, s0;
	s1 =	sshll.u32 s1, $0x11  }
0x39: {  	s0 =	sor.u32 s1, s0  }
0x3a: {  	s0 =	sadd.s32 $0x8F2B, s0  }
0x3b: {  	[sflag:s0] =	ssyncadd.remote.s32 $0x1  }
0x3c: {  	_ =	sfence.sel $0xFFFF  }
0x3d: {  	[dreg:$0x0] =	wrdreg $0xFFFFFFFF;
	(pc) =	sbr.abs _section_cstart, $3  }
0x3e: {  	[dreg:$0x1] =	wrdreg $0xFFFFFFFF  }
0x3f: {  	_ =	task.clear_ibuf [dreg:s7], $0x2FFFF;
	_ =	strace $0x9FFFFFFF  }
0x40: {  	(tm) =	ssettm $0x7FFFFFFF  }
0x41: {  	_ =	shalt  }
tec
execute0_lowered:
.L_overlay_start_1:
0x0: {  	(tag) =	ssettag $0x1  }
0x1: {  	s0 =	srdreg.scid;
	s5 =	rddreg [dreg:$0x0]  }
0x2: {  	s2 =	rddreg [dreg:$0x1];
	s4 =	simm.s32 $0x1;
	s7 =	simm.s32 $0x2  }
0x3: {  	s16 =	simm.s32 $0x0;
	p0 =	por $0x0, $0x0;
	s1 =	sshll.u32 s0, $0x4  }
0x4: {  	s17 =	simm.s32 $0x0;
	s0 =	stileid.u32;
	s1 =	sand.u32 $0x10, s1  }
0x5: {  	s15 =	simm.s32 $0x0;
	s9 =	simm.s32 $0x0;
	s1 =	sor.u32 s0, s1  }
0x6: {  	s10 =	simm.s32 $0x0;
	s12 =	simm.s32 $0x0;
	s3 =	sshll.u32 s1, $0x7  }
.Ltmp0:
0x7: {  	s13 =	simm.s32 $0x0;
	s6 =	ssub.s32 $0x18680, s3;
	(pc) =	sbr.rel .LBB1_1-.Ltmp0, $4  }
0x8: {  	s1 =	rddreg [dreg:$0x2];
	_ =	strace $0x80000047;
	s6 =	sshrl.u32 s6, $0xC  }
0x9: {  	s14 =	simm.s32 $0x0;
	[sflag:s4] =	ssyncpa.u1 $0x0;
	s8 =	smul.u32 $0x5, s6  }
0xa: {  	s5 =	sadd.s32 $0x7A4E00, s5;
	s11 =	smov.u32 s3;
	[sflag:s7] =	ssyncpa.u1 $0x0  }
0xb: {  	s6 =	sadd.s32 $0x5, s8;
	s7 =	sadd.s32 $0x6, s8;
	s8 =	simm.s32 $0x0  }
.LBB1_5:
0xc: {  	p1 =	slt.u32 s14, $0x2  }
0xd: {  	p2 =	sgt.s32 @!p1 s17, $0x4  }
0xe: {  	s18 =	smov.u32 s17;
	s19 =	sshra.s32 @!p1 s17, $0x1F;
	p2 =	por !p2, p1  }
0xf: {  	s20 =	sshra.s32 @!p1 s16, $0x1F;
	s17 =	sand.u32 @!p1 s19, s17;
	s18 =	simm.s32 @p2 $0x4  }
0x10: {  	s19 =	smov.u32 s16;
	p2 =	sgt.s32 @!p1 s16, $0x18620;
	s17 =	ssub.s32 @!p1 s18, s17  }
0x11: {  	s16 =	sand.u32 @!p1 s20, s16;
	p2 =	por !p2, p1;
	s18 =	sadd.s32 @!p1 $0xFFFFFFFC, s17  }
0x12: {  	s19 =	simm.s32 @p2 $0x18620;
	p3 =	sgt.s32 @!p1 s18, $0x0;
	s18 =	ssub.s32 @!p1 $0x0, s15  }
0x13: {  	s17 =	ssub.s32 @!p1 $0x5, s17;
	s16 =	ssub.s32 @!p1 s19, s16;
	s15 =	smin.u32 @!p1 s15, s18  }
0x14: {  	p2 =	por !p3, p1;
	s19 =	sadd.s32 @!p1 $0xFFFE79E0, s16;
	p3 =	sgt.s32 @!p1 s15, $0x7F  }
0x15: {  	s18 =	sadd.s32 $0x1000, s11;
	s15 =	ssub.s32 @!p1 $0x80, s15;
	p3 =	por !p3, p1  }
0x16: {  	s17 =	simm.s32 @!p2 $0x0;
	p2 =	sgt.s32 @!p1 s19, $0x7F;
	s15 =	simm.s32 @!p3 $0x0  }
0x17: {  	p3 =	sgt.s32 s18, $0x1869F;
	s15 =	smul.u32 @!p1 s15, s17;
	s17 =	simm.s32 $0x1  }
0x18: {  	s16 =	ssub.s32 @!p1 $0x186A0, s16;
	p2 =	por !p2, p1;
	s17 =	simm.s32 @!p3 $0x0  }
0x19: {  	s20 =	smov.u32 s13;
	s16 =	simm.s32 @!p2 $0x0;
	s19 =	sadd.s32 s17, s12  }
0x1a: {  	s15 =	smul.u32 @!p1 s16, s15;
	s16 =	sadd.s32 $0x80, s13;
	p2 =	sgt.s32 s19, $0x4  }
0x1b: {  	p0 =	por !p0, !p0;
	s21 =	simm.s32 @!p1 $0x2;
	s20 =	smov.u32 @p2 s16  }
0x1c: {  	s18 =	smov.u32 @p3 s3;
	s19 =	simm.s32 @p2 $0x0;
	p2 =	sgt.s32 s20, $0x7F  }
0x1d: {  	s17 =	smov.u32 s9;
	s20 =	simm.s32 @p2 $0x0;
	p2 =	sne.s32 s14, s7  }
.Ltmp1:
0x1e: {  	s9 =	smov.u32 s12;
	s15 =	sand.u32 @!p1 $0x3FFFFFFF, s15;
	(pc) =	sbr.rel @!p2 .LBB1_6-.Ltmp1, $4  }
0x1f: {  	s16 =	smov.u32 s8;
	s8 =	smov.u32 s11;
	s11 =	smov.u32 s18  }
0x20: {  	_ =	swait.ge @!p1 [sflag:s21], s15;
	s22 =	ssub.s32 @!p1 $0x0, s15;
	s15 =	smov.u32 s10  }
0x21: {  	s10 =	smov.u32 s13;
	s12 =	smov.u32 s19;
	[sflag:s21] =	ssyncset.done @!p1 $0x0  }
0x22: {  	s14 =	sadd.s32 $0x1, s14;
	[sflag:s21] =	ssyncadd.s32 @!p1 s22;
	s13 =	smov.u32 s20  }
.LBB1_1:
0x23: {  	p1 =	sge.u32 s14, s6  }
0x24: {  	s18 =	sshrl.u32 @!p1 s12, $0x3  }
0x25: {  	s19 =	sshll.u32 @!p1 s11, $0x3;
	s18 =	smul.u32 @!p1 $0xC3800, s18  }
0x26: {  	s20 =	sshll.u32 @!p1 s12, $0x7;
	s19 =	sand.u32 @!p1 $0xFFFFFC00, s19  }
0x27: {  	s18 =	sadd.s32 @!p1 s18, s19;
	s19 =	sand.u32 @!p1 $0x380, s20  }
0x28: {  	s20 =	sand.u32 @!p1 $0x7F, s11;
	s18 =	sor.u32 @!p1 s19, s18  }
0x29: {  	s19 =	sor.u32 @!p1 s20, s18  }
0x2a: {  	s20 =	smulhi.u32 @!p1 $0xA79C7B17, s19  }
0x2b: {  	s18 =	smulhi.u32 @!p1 $0xA79C7B17, s18  }
0x2c: {  	s20 =	sshrl.u32 @!p1 s20, $0x10  }
0x2d: {  	s18 =	sshrl.u32 @!p1 s18, $0x10;
	s20 =	smul.u32 @!p1 $0x18700, s20  }
0x2e: {  	s21 =	sxor.u32 @!p1 $0xFFFFFFFF, s14;
	s22 =	smul.u32 @!p1 $0x18700, s13;
	s18 =	sand.u32 @!p1 $0x7, s18  }
0x2f: {  	s21 =	sshll.u32 @!p1 s21, $0xE;
	s18 =	smul.u32 @!p1 $0x30E0, s18;
	s19 =	ssub.s32 @!p1 s19, s20  }
0x30: {  	s20 =	sand.u32 @!p1 $0x4000, s21;
	s21 =	sadd.s32 @!p1 s5, s22;
	s22 =	sand.u32 @!p1 $0x7, s19  }
0x31: {  	s19 =	sshrl.u32 @!p1 s19, $0x3;
	s18 =	sadd.s32 @!p1 s18, s21;
	s21 =	sshll.u32 @!p1 s22, $0x12  }
0x32: {  	s18 =	sadd.s32 @!p1 s19, s18;
	s19 =	sor.u32 @!p1 $0x80, s21;
	s21 =	simm.s32 @!p1 $0xC3800  }
0x33: {  	[tilespmem:s20], [sflag:$0x1] =	stream.strided.gather @!p1 [hbm4b:s18+s19], $0x4000, s21, s19, $0x38;
	[tilespmem:$0x10100] =	vst v63  }
0x34: {  	p1 =	seq.s32 s14, $0x0  }
0x35: {  	p2 =	sge.u32 @!p1 s14, s7  }
0x36: {  	p1 =	por p1, p2  }
.Ltmp2:
0x37: {  	_ = 	snop;
	(pc) =	sbr.rel @p1 .LBB1_5-.Ltmp2, $1  }
0x38: {  	_ =	sdelay $0x3  }
0x39: {  	s18 =	simm.s32 $0x1  }
0x3a: {  	_ =	swait.ge [sflag:s4], $0x4000;
	s18 =	simm.s32 @!p0 $0x0  }
0x3b: {  	[sflag:s4] =	ssyncset.done $0x0;
	s19 =	sshll.u32 s18, $0xE  }
0x3c: {  	[sflag:s4] =	ssyncadd.s32 $0xFFFFC000;
	s19 =	sor.u32 $0x40, s19  }
0x3d: {  	s18 =	smul.u32 $0x10200, s18;
	v0 =	vld [tilespmem:s19+$0x30]  }
0x3e: {  	v1 =	vld [tilespmem:s19+$0xFFFFFFD0]  }
0x3f: {  	s18 =	sshrl.u32 s18, $0x2;
	v5 =	vld [tilespmem:s19+$0xFFFFFFE0]  }
0x40: {  	v6 =	vld [tilespmem:s19+$0xFFFFFFF0];
	s21 =	sor.u32 $0x8000, s18  }
0x41: {  	s31 =	sand.u32 $0x1, s14;
	v4 =	vld [tilespmem:s19+$0x0];
	s20 =	sadd.s32 $0x0, s21  }
0x42: {  	v3 =	vld [tilespmem:s19+$0x10];
	s18 =	smul.u32 $0x10200, s31;
	[tilespmem:s20+$0x3870 ss:$0x81] =	vst.msk $0xffff, v0  }
0x43: {  	v2 =	vld [tilespmem:s19+$0x20];
	[tilespmem:s20+$0x810 ss:$0x81] =	vst.msk $0xffff, v1  }
0x44: {  	s18 =	sshrl.u32 s18, $0x2;
	v0 =	vld [tilespmem:s19+$0xFFFFFFC0];
	[tilespmem:s20+$0x1020 ss:$0x81] =	vst.msk $0xffff, v5;
	s19 =	sadd.s32 $0x80, s19  }
0x45: {  	s22 =	simm.s32 $0x4;
	s23 =	simm.s32 $0x8;
	s18 =	sor.u32 $0x8000, s18;
	[tilespmem:s20+$0x1830 ss:$0x81] =	vst.msk $0xffff, v6;
	v1 =	vld [tilespmem:s19+$0x30]  }
.LBB1_3:
0x46: {  	p1 =	sne.s32 s23, $0x1FC;
	v5 =	vld [tilespmem:s19+$0xFFFFFFD0];
	[tilespmem:s20+$0x2040 ss:$0x81] =	vst.msk $0xffff, v4  }
0x47: {  	v6 =	vld [tilespmem:s19+$0xFFFFFFE0];
	[tilespmem:s20+$0x2850 ss:$0x81] =	vst.msk $0xffff, v3  }
0x48: {  	s24 =	sshra.s32 s22, $0x2;
	s22 =	smov.u32 s23;
	v7 =	vld [tilespmem:s19+$0xFFFFFFF0];
	[tilespmem:s20+$0x3060 ss:$0x81] =	vst.msk $0xffff, v2  }
.Ltmp3:
0x49: {  	v4 =	vld [tilespmem:s19+$0x0];
	[tilespmem:s20+$0x0 ss:$0x81] =	vst.msk $0xffff, v0;
	s20 =	sadd.s32 s24, s21;
	(pc) =	sbr.rel @p1 .LBB1_3-.Ltmp3, $4  }
0x4a: {  	v3 =	vld [tilespmem:s19+$0x10];
	[tilespmem:s20+$0x3870 ss:$0x81] =	vst.msk $0xffff, v1  }
0x4b: {  	[tilespmem:s20+$0x810 ss:$0x81] =	vst.msk $0xffff, v5;
	v2 =	vld [tilespmem:s19+$0x20]  }
0x4c: {  	v0 =	vld [tilespmem:s19+$0xFFFFFFC0];
	[tilespmem:s20+$0x1020 ss:$0x81] =	vst.msk $0xffff, v6;
	s19 =	sadd.s32 $0x80, s19  }
0x4d: {  	s23 =	sadd.s32 $0x4, s23;
	v1 =	vld [tilespmem:s19+$0x30];
	[tilespmem:s20+$0x1830 ss:$0x81] =	vst.msk $0xffff, v7  }
0x4e: {  	s23 =	sshll.u32 s8, $0x7;
	s24 =	sshll.u32 s10, $0x3  }
0x4f: {  	p1 =	sgt.s32 s9, $0x4;
	s26 =	sshra.s32 s9, $0x1F;
	s22 =	sshra.s32 s22, $0x2  }
0x50: {  	s29 =	ssub.s32 $0x0, s10;
	s25 =	sand.u32 $0xFFFFFC00, s23;
	s24 =	sand.u32 $0xFFFFFC00, s24  }
0x51: {  	[tilespmem:s20+$0x2040 ss:$0x81] =	vst.msk $0xffff, v4;
	s30 =	sshra.s32 s8, $0x1F;
	s23 =	sand.u32 $0x380, s23;
	s24 =	sadd.s32 s24, s25  }
0x52: {  	s21 =	sadd.s32 s22, s21;
	[tilespmem:s20+$0x2850 ss:$0x81] =	vst.msk $0xffff, v3;
	s23 =	sor.u32 s23, s24;
	s24 =	smov.u32 s9  }
0x53: {  	s25 =	sand.u32 s26, s9;
	[tilespmem:s20+$0x3060 ss:$0x81] =	vst.msk $0xffff, v2;
	s23 =	sshrl.u32 s23, $0x7;
	s24 =	simm.s32 @!p1 $0x4  }
0x54: {  	v5 =	vld [tilespmem:s19+$0xFFFFFFD0];
	[tilespmem:s20+$0x0 ss:$0x81] =	vst.msk $0xffff, v0;
	s20 =	sand.u32 s30, s8;
	s26 =	smulhi.u32 $0x14F8B59, s23;
	s24 =	ssub.s32 s24, s25  }
0x55: {  	v58 =	vld [tilespmem:s19+$0xFFFFFFE0];
	s27 =	sadd.s32 $0xFFFFFFFC, s24;
	s22 =	ssub.s32 $0x5, s24;
	s24 =	smov.u32 s8  }
0x56: {  	v59 =	vld [tilespmem:s19+$0xFFFFFFF0];
	s28 =	sshrl.u32 s26, $0x9;
	p1 =	sgt.s32 s27, $0x0;
	s26 =	smin.u32 s10, s29  }
0x57: {  	v60 =	vld [tilespmem:s19+$0x0];
	s27 =	smul.u32 $0x186A00, s9;
	s22 =	simm.s32 @p1 $0x0;
	p1 =	sgt.s32 s8, $0x18620  }
0x58: {  	v61 =	vld [tilespmem:s19+$0x10];
	[tilespmem:s21+$0x3870 ss:$0x81] =	vst.msk $0xffff, v1;
	s24 =	simm.s32 @!p1 $0x18620;
	p1 =	sgt.s32 s26, $0x7F;
	s26 =	ssub.s32 $0x80, s26  }
0x59: {  	v62 =	vld [tilespmem:s19+$0x20];
	[tilespmem:s21+$0x810 ss:$0x81] =	vst.msk $0xffff, v5;
	s31 =	smul.u32 $0x186A0, s28;
	s20 =	ssub.s32 s24, s20;
	s26 =	simm.s32 @p1 $0x0  }
0x5a: {  	v63 =	vld [tilespmem:s19+$0xFFFFFFC0];
	[tilespmem:s21+$0x1020 ss:$0x81] =	vst.msk $0xffff, v58;
	s25 =	smul.u32 s26, s22;
	s26 =	sadd.s32 $0xFFFE79E0, s20  }
0x5b: {  	[tilespmem:s21+$0x1830 ss:$0x81] =	vst.msk $0xffff, v59;
	s28 =	sshrl.u32 s10, $0x3;
	s20 =	ssub.s32 $0x186A0, s20;
	p1 =	sgt.s32 s26, $0x7F  }
.Ltmp4:
0x5c: {  	[tilespmem:s21+$0x2040 ss:$0x81] =	vst.msk $0xffff, v60;
	s29 =	sand.u32 $0xF, s28;
	s20 =	simm.s32 @p1 $0x0;
	(pc) =	sbr.rel .LBB1_5-.Ltmp4, $4  }
0x5d: {  	[tilespmem:s21+$0x2850 ss:$0x81] =	vst.msk $0xffff, v61;
	s23 =	ssub.s32 s23, s31;
	s22 =	sadd.s32 s2, s27;
	s19 =	smul.u32 s20, s25  }
0x5e: {  	[tilespmem:s21+$0x3060 ss:$0x81] =	vst.msk $0xffff, v62;
	s30 =	sshll.u32 s23, $0x4;
	s20 =	sadd.s32 s29, s22  }
0x5f: {  	[tilespmem:s21+$0x0 ss:$0x81] =	vst.msk $0xffff, v63;
	s31 =	sand.u32 $0x7, s10;
	s20 =	sadd.s32 s30, s20;
	s19 =	sand.u32 $0x3FFFFFFF, s19  }
0x60: {  	[hbm4b:s20+s31] =	stream.linear.scatter [tilespmem:s18], [sflag:$0x2], s19, $0x20;
	[tilespmem:$0x10100] =	vst v63  }
.LBB1_6:
0x61: {  	_ =	sfence.sel $0x180000  }
0x62: {  	s2 =	simm.s32 $0x1;
	[bflag:$0x0] =	sbarrier.arrive $0xFFFF  }
0x63: {  	s31 =	simm.s32 $0x2;
	[sflag:s2] =	ssyncpa.u1 $0x1  }
0x64: {  	[sflag:s31] =	ssyncpa.u1 $0x1  }
0x65: {  	p0 =	sne.s32 s0, $0x0;
	_ =	strace $0x90000047  }
0x66: {  	s0 =	sadd.s32 @!p0 $0x100000, s1;
	[bflag:$0x2] =	sbarrier.arrive $0xFFFF  }
0x67: {  	[sflag:s0] =	ssyncadd.tile.s32 @!p0 $0x1;
	_ =	shalt  }
.Lfunc_end1:
_tile_overlayer_lowered:
.L_overlay_start_2:
0x68: {  	(tag) =	ssettag $0x2  }
0x69: {  	s0 =	rddreg [dreg:$0x0];
	s2 =	stileid.u32  }
0x6a: {  	s1 =	rddreg [dreg:$0x1];
	p0 =	sne.s32 s2, $0x0  }
0x6b: {  	s3 =	rddreg [dreg:$0x2];
	[bflag:$0x3] =	sbarrier.arrive $0xFFFF;
	s2 =	simm.s32 @!p0 $0x1C01  }
0x6c: {  	[timem:s3], [sflag:s2] =	dma.local @!p0 [hbm:s0], s1  }
0x6d: {  	s0 =	simm.s32 @!p0 $0x1  }
0x6e: {  	_ =	swait.ge @!p0 [sflag:s0], s1  }
0x6f: {  	s1 =	ssub.s32 @!p0 $0x0, s1;
	[sflag:s0] =	ssyncset.done @!p0 $0x0  }
0x70: {  	[sflag:s0] =	ssyncadd.s32 @!p0 s1  }
0x71: {  	[bflag:$0x3] =	sbarrier.arrive $0xFFFF  }
0x72: {  	_ =	shalt  }

</sc_bundles>
